<compile_context>
chip_gen: v7x
topology: tpu7x:2x2x1
jax: 0.10.2.dev20260603
libtpu: 0.0.44.dev20260713+nightly
codegen_flags: <defaults>
</compile_context>

<pallas_src>
import functools

import jax
import jax.numpy as jnp
from jax import lax
from jax.experimental import pallas as pl
from jax.experimental.pallas import tpu as pltpu
from jax.experimental.pallas import tpu_sc as plsc

_NC = 2
_NS = 16
_NW = _NC * _NS

_CHUNK = 32
_NBUF = 2


@functools.partial(jax.jit, static_argnums=(2, 3))
def _sc_gather(idx, table, B, D):
    b_per_w = B // _NW
    n_chunks = b_per_w // _CHUNK
    mesh = plsc.VectorSubcoreMesh(core_axis_name="c", subcore_axis_name="s")

    @functools.partial(
        pl.kernel,
        out_type=jax.ShapeDtypeStruct((B, D), jnp.float32),
        mesh=mesh,
        scratch_types=[
            pltpu.VMEM((b_per_w,), jnp.int32),
            pltpu.VMEM((_NBUF, _CHUNK, D), jnp.float32),
            pltpu.SemaphoreType.DMA((_NBUF,)),
        ],
    )
    def k(idx_hbm, table_hbm, out_hbm, idx_v, rows_v, gsem):
        wid = lax.axis_index("s") * _NC + lax.axis_index("c")
        base = wid * b_per_w
        w_per_row = idx_hbm.shape[1] // b_per_w
        pltpu.sync_copy(
            idx_hbm.at[wid // w_per_row,
                       pl.ds((wid % w_per_row) * b_per_w, b_per_w)],
            idx_v)

        def gather(j, b):
            pltpu.async_copy(
                table_hbm.at[idx_v.at[pl.ds(j * _CHUNK, _CHUNK)]],
                rows_v.at[b], gsem.at[b])

        def wait_gather(j, b):
            pltpu.make_async_copy(
                table_hbm.at[idx_v.at[pl.ds(j * _CHUNK, _CHUNK)]],
                rows_v.at[b], gsem.at[b]).wait()

        for b in range(_NBUF):
            gather(b, b)

        @pl.loop(0, n_chunks, step=_NBUF)
        def _(j0):
            for b in range(_NBUF):
                j = j0 + b
                wait_gather(j, b)
                pltpu.sync_copy(rows_v.at[b],
                                out_hbm.at[pl.ds(base + j * _CHUNK, _CHUNK)])

                @pl.when(j + _NBUF < n_chunks)
                def _():
                    gather(j + _NBUF, b)

    return k(idx, table)


def kernel(x, embed_positions):
    BATCH, SEQ = x.shape
    V, D = embed_positions.shape
    B = BATCH * SEQ
    out = _sc_gather(x.astype(jnp.int32), embed_positions, B, D)
    return out.reshape(BATCH, SEQ, D)

# --- scband reference (transcript-rebuilt; emitter-appended) ---
"""Pipeline reference for scband-bio-gp-tlearned-positional-embeddig-18468359373073 (READ-ONLY COPY).

The authoritative reference and input builder live on the scoring server;
editing this copy changes nothing except your own understanding.
"""

import jax, jax.numpy as jnp
import numpy as np

SEQLEN = 8192
DIM = 1024
VOCAB = SEQLEN + 2  # 8194
BATCH = 4


def setup_inputs(seed: int = 0) -> dict:
    key = jax.random.key(seed)
    k_idx, k_tab = jax.random.split(key)
    x = jax.random.randint(k_idx, (BATCH, SEQLEN), 0, VOCAB, dtype=jnp.int64 if jax.config.jax_enable_x64 else jnp.int32)
    embed_positions = jax.random.normal(k_tab, (VOCAB, DIM), dtype=jnp.float32) * 0.02
    return {"x": x, "embed_positions": embed_positions}


def reference(x, embed_positions):
    # nn.Embedding lookup: gather rows of the positional table
    return jnp.take(embed_positions, x, axis=0)

if __name__ == "__main__":
    import jax
    _d = setup_inputs()
    print(jax.jit(kernel)(*tuple(_d.values())))

</pallas_src>

<mosaic_0001>
#map = affine_map<(d0, d1) -> (0, 0)>
module attributes {stable_mosaic.version = 14 : i64} {
  func.func @k(%arg0: i32, %arg1: i32, %arg2: memref<4x8192xi32, #tpu.memory_space<hbm>>, %arg3: memref<8194x1024xf32, #tpu.memory_space<hbm>>, %arg4: memref<32768x1024xf32, #tpu.memory_space<hbm>>, %arg5: memref<1024xi32, #tpu.memory_space<vmem>>, %arg6: memref<2x32x1024xf32, #tpu.memory_space<vmem>>, %arg7: memref<2x!tpu.dma_semaphore, #tpu.memory_space<semaphore_mem>>) attributes {dimension_semantics = [#tpu.dimension_semantics<core_parallel>, #tpu.dimension_semantics<subcore_parallel>], iteration_bounds = array<i64: 2, 16>, scalar_prefetch = 0 : i64, scratch_operands = 3 : i64, tpu.core_type = #tpu.core_type<sc_vector_subcore>, window_params = [{transform_indices = #map}, {transform_indices = #map}, {transform_indices = #map}]} {
    %mul3A = arith.constant 2 : i32
    %mul3A_0 = arith.muli %arg1, %mul3A : i32
    %add3A = arith.addi %mul3A_0, %arg0 : i32
    %mul3A_1 = arith.constant 1024 : i32
    %mul3A_2 = arith.muli %add3A, %mul3A_1 : i32
    %jit3A = arith.constant 8 : i32
    %div3A = arith.divsi %add3A, %jit3A : i32
    %sign3A = arith.constant 0 : i32
    %sign3A_3 = arith.cmpi sgt, %add3A, %sign3A : i32
    %sign3A_4 = arith.extui %sign3A_3 : i1 to i32
    %sign3A_5 = arith.constant 0 : i32
    %sign3A_6 = arith.cmpi slt, %add3A, %sign3A_5 : i32
    %sign3A_7 = arith.extui %sign3A_6 : i1 to i32
    %sign3A_8 = arith.subi %sign3A_4, %sign3A_7 : i32
    %sign3A_9 = arith.constant 0 : i32
    %sign3A_10 = arith.cmpi sgt, %jit3A, %sign3A_9 : i32
    %sign3A_11 = arith.extui %sign3A_10 : i1 to i32
    %sign3A_12 = arith.constant 0 : i32
    %sign3A_13 = arith.cmpi slt, %jit3A, %sign3A_12 : i32
    %sign3A_14 = arith.extui %sign3A_13 : i1 to i32
    %sign3A_15 = arith.subi %sign3A_11, %sign3A_14 : i32
    %ne3A = arith.cmpi ne, %sign3A_8, %sign3A_15 : i32
    %rem3A = arith.remsi %add3A, %jit3A : i32
    %ne3A_16 = arith.constant 0 : i32
    %ne3A_17 = arith.cmpi ne, %rem3A, %ne3A_16 : i32
    %and3A = arith.andi %ne3A, %ne3A_17 : i1
    %sub3A = arith.constant 1 : i32
    %sub3A_18 = arith.subi %div3A, %sub3A : i32
    %select_n3A = arith.select %and3A, %sub3A_18, %div3A : i32
    %jit3A_19 = arith.constant 8 : i32
    %eq3A = arith.constant 0 : i32
    %eq3A_20 = arith.cmpi eq, %jit3A_19, %eq3A : i32
    %jit3A_21 = arith.constant 1 : i32
    %select_n3A_22 = arith.select %eq3A_20, %jit3A_21, %jit3A_19 : i32
    %rem3A_23 = arith.remsi %add3A, %select_n3A_22 : i32
    %ne3A_24 = arith.constant 0 : i32
    %ne3A_25 = arith.cmpi ne, %rem3A_23, %ne3A_24 : i32
    %lt3A = arith.constant 0 : i32
    %lt3A_26 = arith.cmpi slt, %rem3A_23, %lt3A : i32
    %lt3A_27 = arith.constant 0 : i32
    %lt3A_28 = arith.cmpi slt, %select_n3A_22, %lt3A_27 : i32
    %ne3A_29 = arith.xori %lt3A_26, %lt3A_28 : i1
    %and3A_30 = arith.andi %ne3A_29, %ne3A_25 : i1
    %add3A_31 = arith.addi %rem3A_23, %select_n3A_22 : i32
    %select_n3A_32 = arith.select %and3A_30, %add3A_31, %rem3A_23 : i32
    %mul3A_33 = arith.constant 1024 : i32
    %mul3A_34 = arith.muli %select_n3A_32, %mul3A_33 : i32
    "tpu.region"() ({
      %run_scoped3A = tpu.sem_alloc : memref<!tpu.dma_semaphore, #tpu.memory_space<semaphore_mem>>
      %dma_start3A_64 = tpu.memref_slice %arg2[%select_n3A, %mul3A_34] : memref<4x8192xi32, #tpu.memory_space<hbm>> -> memref<1x1024xi32, #tpu.memory_space<hbm>>
      %dma_start3A_65 = tpu.memref_squeeze %dma_start3A_64 : memref<1x1024xi32, #tpu.memory_space<hbm>> -> memref<1024xi32, #tpu.memory_space<hbm>>
      %dma_start3A_66 = tpu.memref_slice %arg2[%select_n3A, %mul3A_34] : memref<4x8192xi32, #tpu.memory_space<hbm>> -> memref<1x1024xi32, #tpu.memory_space<hbm>>
      %dma_start3A_67 = tpu.memref_squeeze %dma_start3A_66 : memref<1x1024xi32, #tpu.memory_space<hbm>> -> memref<1024xi32, #tpu.memory_space<hbm>>
      tpu.enqueue_dma source(%dma_start3A_67 : memref<1024xi32, #tpu.memory_space<hbm>>) target(%arg5 : memref<1024xi32, #tpu.memory_space<vmem>>) target_semaphore(%run_scoped3A : memref<!tpu.dma_semaphore, #tpu.memory_space<semaphore_mem>>)
      %dma_wait3A = tpu.memref_slice %arg2[%select_n3A, %mul3A_34] : memref<4x8192xi32, #tpu.memory_space<hbm>> -> memref<1x1024xi32, #tpu.memory_space<hbm>>
      %dma_wait3A_68 = tpu.memref_squeeze %dma_wait3A : memref<1x1024xi32, #tpu.memory_space<hbm>> -> memref<1024xi32, #tpu.memory_space<hbm>>
      %dma_wait3A_69 = tpu.memref_slice %arg2[%select_n3A, %mul3A_34] : memref<4x8192xi32, #tpu.memory_space<hbm>> -> memref<1x1024xi32, #tpu.memory_space<hbm>>
      %dma_wait3A_70 = tpu.memref_squeeze %dma_wait3A_69 : memref<1x1024xi32, #tpu.memory_space<hbm>> -> memref<1024xi32, #tpu.memory_space<hbm>>
      tpu.wait_dma2 semaphore(%run_scoped3A : memref<!tpu.dma_semaphore, #tpu.memory_space<semaphore_mem>>) src(%dma_wait3A_70 : memref<1024xi32, #tpu.memory_space<hbm>>) dst(%arg5 : memref<1024xi32, #tpu.memory_space<vmem>>)
      tpu.yield
    }) : () -> ()
    %dma_start3A = arith.constant 0 : i32
    %dma_start3A_35 = arith.constant 0 : i32
    %dma_start3A_36 = arith.constant 0 : i32
    %dma_start3A_37 = arith.constant 0 : i32
    %dma_start3A_38 = tpu.memref_slice %arg6[%dma_start3A, %dma_start3A_36, %dma_start3A_37] : memref<2x32x1024xf32, #tpu.memory_space<vmem>> -> memref<1x32x1024xf32, #tpu.memory_space<vmem>>
    %dma_start3A_39 = tpu.memref_squeeze %dma_start3A_38 : memref<1x32x1024xf32, #tpu.memory_space<vmem>> -> memref<32x1024xf32, #tpu.memory_space<vmem>>
    %dma_start3A_40 = arith.constant 0 : i32
    %dma_start3A_41 = tpu.memref_slice %arg5[%dma_start3A_40] : memref<1024xi32, #tpu.memory_space<vmem>> -> memref<32xi32, #tpu.memory_space<vmem>>
    %dma_start3A_42 = arith.constant 0 : i32
    %dma_start3A_43 = arith.constant 0 : i32
    %dma_start3A_44 = tpu.memref_slice %arg3[%dma_start3A_42, %dma_start3A_43] : memref<8194x1024xf32, #tpu.memory_space<hbm>> -> memref<8194x1024xf32, #tpu.memory_space<hbm>>
    %dma_start3A_45 = tpu.memref_slice %arg7[%dma_start3A_35] : memref<2x!tpu.dma_semaphore, #tpu.memory_space<semaphore_mem>> -> memref<1x!tpu.dma_semaphore, #tpu.memory_space<semaphore_mem>>
    %dma_start3A_46 = tpu.memref_squeeze %dma_start3A_45 : memref<1x!tpu.dma_semaphore, #tpu.memory_space<semaphore_mem>> -> memref<!tpu.dma_semaphore, #tpu.memory_space<semaphore_mem>>
    tpu.enqueue_indirect_dma source(%dma_start3A_44 : memref<8194x1024xf32, #tpu.memory_space<hbm>>) target(%dma_start3A_39 : memref<32x1024xf32, #tpu.memory_space<vmem>>) offsets(%dma_start3A_41 : memref<32xi32, #tpu.memory_space<vmem>>) semaphore(%dma_start3A_46 : memref<!tpu.dma_semaphore, #tpu.memory_space<semaphore_mem>>)
    %dma_start3A_47 = arith.constant 1 : i32
    %dma_start3A_48 = arith.constant 1 : i32
    %dma_start3A_49 = arith.constant 0 : i32
    %dma_start3A_50 = arith.constant 0 : i32
    %dma_start3A_51 = tpu.memref_slice %arg6[%dma_start3A_47, %dma_start3A_49, %dma_start3A_50] : memref<2x32x1024xf32, #tpu.memory_space<vmem>> -> memref<1x32x1024xf32, #tpu.memory_space<vmem>>
    %dma_start3A_52 = tpu.memref_squeeze %dma_start3A_51 : memref<1x32x1024xf32, #tpu.memory_space<vmem>> -> memref<32x1024xf32, #tpu.memory_space<vmem>>
    %dma_start3A_53 = arith.constant 32 : i32
    %dma_start3A_54 = tpu.memref_slice %arg5[%dma_start3A_53] : memref<1024xi32, #tpu.memory_space<vmem>> -> memref<32xi32, #tpu.memory_space<vmem>>
    %dma_start3A_55 = arith.constant 0 : i32
    %dma_start3A_56 = arith.constant 0 : i32
    %dma_start3A_57 = tpu.memref_slice %arg3[%dma_start3A_55, %dma_start3A_56] : memref<8194x1024xf32, #tpu.memory_space<hbm>> -> memref<8194x1024xf32, #tpu.memory_space<hbm>>
    %dma_start3A_58 = tpu.memref_slice %arg7[%dma_start3A_48] : memref<2x!tpu.dma_semaphore, #tpu.memory_space<semaphore_mem>> -> memref<1x!tpu.dma_semaphore, #tpu.memory_space<semaphore_mem>>
    %dma_start3A_59 = tpu.memref_squeeze %dma_start3A_58 : memref<1x!tpu.dma_semaphore, #tpu.memory_space<semaphore_mem>> -> memref<!tpu.dma_semaphore, #tpu.memory_space<semaphore_mem>>
    tpu.enqueue_indirect_dma source(%dma_start3A_57 : memref<8194x1024xf32, #tpu.memory_space<hbm>>) target(%dma_start3A_52 : memref<32x1024xf32, #tpu.memory_space<vmem>>) offsets(%dma_start3A_54 : memref<32xi32, #tpu.memory_space<vmem>>) semaphore(%dma_start3A_59 : memref<!tpu.dma_semaphore, #tpu.memory_space<semaphore_mem>>)
    %scan3A = arith.constant 0 : i32
    %scan3A_60 = arith.constant 16 : i32
    %scan3A_61 = arith.addi %scan3A, %scan3A_60 : i32
    %scan3A_62 = arith.constant 1 : i32
    scf.for %scan3A_64 = %scan3A to %scan3A_61 step %scan3A_62  : i32 {
      %mul3A_65 = arith.constant 2 : i32
      %mul3A_66 = arith.muli %scan3A_64, %mul3A_65 : i32
      %add3A_67 = arith.constant 0 : i32
      %add3A_68 = arith.addi %add3A_67, %mul3A_66 : i32
      %add3A_69 = arith.constant 0 : i32
      %add3A_70 = arith.addi %add3A_68, %add3A_69 : i32
      %mul3A_71 = arith.constant 32 : i32
      %mul3A_72 = arith.muli %add3A_70, %mul3A_71 : i32
      %dma_wait3A = arith.constant 0 : i32
      %dma_wait3A_73 = arith.constant 0 : i32
      %dma_wait3A_74 = arith.constant 0 : i32
      %dma_wait3A_75 = arith.constant 0 : i32
      %dma_wait3A_76 = tpu.memref_slice %arg6[%dma_wait3A, %dma_wait3A_74, %dma_wait3A_75] : memref<2x32x1024xf32, #tpu.memory_space<vmem>> -> memref<1x32x1024xf32, #tpu.memory_space<vmem>>
      %dma_wait3A_77 = tpu.memref_squeeze %dma_wait3A_76 : memref<1x32x1024xf32, #tpu.memory_space<vmem>> -> memref<32x1024xf32, #tpu.memory_space<vmem>>
      %dma_wait3A_78 = tpu.memref_slice %arg5[%mul3A_72] : memref<1024xi32, #tpu.memory_space<vmem>> -> memref<32xi32, #tpu.memory_space<vmem>>
      %dma_wait3A_79 = arith.constant 0 : i32
      %dma_wait3A_80 = arith.constant 0 : i32
      %dma_wait3A_81 = tpu.memref_slice %arg3[%dma_wait3A_79, %dma_wait3A_80] : memref<8194x1024xf32, #tpu.memory_space<hbm>> -> memref<8194x1024xf32, #tpu.memory_space<hbm>>
      %dma_wait3A_82 = tpu.memref_slice %arg7[%dma_wait3A_73] : memref<2x!tpu.dma_semaphore, #tpu.memory_space<semaphore_mem>> -> memref<1x!tpu.dma_semaphore, #tpu.memory_space<semaphore_mem>>
      %dma_wait3A_83 = tpu.memref_squeeze %dma_wait3A_82 : memref<1x!tpu.dma_semaphore, #tpu.memory_space<semaphore_mem>> -> memref<!tpu.dma_semaphore, #tpu.memory_space<semaphore_mem>>
      tpu.wait_indirect_dma semaphore(%dma_wait3A_83 : memref<!tpu.dma_semaphore, #tpu.memory_space<semaphore_mem>>) src(%dma_wait3A_81 : memref<8194x1024xf32, #tpu.memory_space<hbm>>) dst(%dma_wait3A_77 : memref<32x1024xf32, #tpu.memory_space<vmem>>)
      %mul3A_84 = arith.constant 32 : i32
      %mul3A_85 = arith.muli %add3A_70, %mul3A_84 : i32
      %add3A_86 = arith.addi %mul3A_2, %mul3A_85 : i32
      %run_scoped3A = arith.constant 0 : i32
      "tpu.region"() ({
        %run_scoped3A_119 = tpu.sem_alloc : memref<!tpu.dma_semaphore, #tpu.memory_space<semaphore_mem>>
        %dma_start3A_120 = arith.constant 0 : i32
        %dma_start3A_121 = arith.constant 0 : i32
        %dma_start3A_122 = tpu.memref_slice %arg6[%run_scoped3A, %dma_start3A_120, %dma_start3A_121] : memref<2x32x1024xf32, #tpu.memory_space<vmem>> -> memref<1x32x1024xf32, #tpu.memory_space<vmem>>
        %dma_start3A_123 = tpu.memref_squeeze %dma_start3A_122 : memref<1x32x1024xf32, #tpu.memory_space<vmem>> -> memref<32x1024xf32, #tpu.memory_space<vmem>>
        %dma_start3A_124 = arith.constant 0 : i32
        %dma_start3A_125 = tpu.memref_slice %arg4[%add3A_86, %dma_start3A_124] : memref<32768x1024xf32, #tpu.memory_space<hbm>> -> memref<32x1024xf32, #tpu.memory_space<hbm>>
        %dma_start3A_126 = arith.constant 0 : i32
        %dma_start3A_127 = tpu.memref_slice %arg4[%add3A_86, %dma_start3A_126] : memref<32768x1024xf32, #tpu.memory_space<hbm>> -> memref<32x1024xf32, #tpu.memory_space<hbm>>
        %dma_start3A_128 = arith.constant 0 : i32
        %dma_start3A_129 = arith.constant 0 : i32
        %dma_start3A_130 = tpu.memref_slice %arg6[%run_scoped3A, %dma_start3A_128, %dma_start3A_129] : memref<2x32x1024xf32, #tpu.memory_space<vmem>> -> memref<1x32x1024xf32, #tpu.memory_space<vmem>>
        %dma_start3A_131 = tpu.memref_squeeze %dma_start3A_130 : memref<1x32x1024xf32, #tpu.memory_space<vmem>> -> memref<32x1024xf32, #tpu.memory_space<vmem>>
        tpu.enqueue_dma source(%dma_start3A_131 : memref<32x1024xf32, #tpu.memory_space<vmem>>) target(%dma_start3A_127 : memref<32x1024xf32, #tpu.memory_space<hbm>>) target_semaphore(%run_scoped3A_119 : memref<!tpu.dma_semaphore, #tpu.memory_space<semaphore_mem>>)
        %dma_wait3A_132 = arith.constant 0 : i32
        %dma_wait3A_133 = arith.constant 0 : i32
        %dma_wait3A_134 = tpu.memref_slice %arg6[%run_scoped3A, %dma_wait3A_132, %dma_wait3A_133] : memref<2x32x1024xf32, #tpu.memory_space<vmem>> -> memref<1x32x1024xf32, #tpu.memory_space<vmem>>
        %dma_wait3A_135 = tpu.memref_squeeze %dma_wait3A_134 : memref<1x32x1024xf32, #tpu.memory_space<vmem>> -> memref<32x1024xf32, #tpu.memory_space<vmem>>
        %dma_wait3A_136 = arith.constant 0 : i32
        %dma_wait3A_137 = tpu.memref_slice %arg4[%add3A_86, %dma_wait3A_136] : memref<32768x1024xf32, #tpu.memory_space<hbm>> -> memref<32x1024xf32, #tpu.memory_space<hbm>>
        %dma_wait3A_138 = arith.constant 0 : i32
        %dma_wait3A_139 = tpu.memref_slice %arg4[%add3A_86, %dma_wait3A_138] : memref<32768x1024xf32, #tpu.memory_space<hbm>> -> memref<32x1024xf32, #tpu.memory_space<hbm>>
        %dma_wait3A_140 = arith.constant 0 : i32
        %dma_wait3A_141 = arith.constant 0 : i32
        %dma_wait3A_142 = tpu.memref_slice %arg6[%run_scoped3A, %dma_wait3A_140, %dma_wait3A_141] : memref<2x32x1024xf32, #tpu.memory_space<vmem>> -> memref<1x32x1024xf32, #tpu.memory_space<vmem>>
        %dma_wait3A_143 = tpu.memref_squeeze %dma_wait3A_142 : memref<1x32x1024xf32, #tpu.memory_space<vmem>> -> memref<32x1024xf32, #tpu.memory_space<vmem>>
        tpu.wait_dma2 semaphore(%run_scoped3A_119 : memref<!tpu.dma_semaphore, #tpu.memory_space<semaphore_mem>>) src(%dma_wait3A_143 : memref<32x1024xf32, #tpu.memory_space<vmem>>) dst(%dma_wait3A_139 : memref<32x1024xf32, #tpu.memory_space<hbm>>)
        tpu.yield
      }) : () -> ()
      %add3A_87 = arith.constant 2 : i32
      %add3A_88 = arith.addi %add3A_70, %add3A_87 : i32
      %lt3A_89 = arith.constant 32 : i32
      %lt3A_90 = arith.cmpi slt, %add3A_88, %lt3A_89 : i32
      %convert_element_type3A = arith.extui %lt3A_90 : i1 to i32
      %cond3A = arith.constant 0 : i32
      %cond3A_91 = arith.cmpi ne, %convert_element_type3A, %cond3A : i32
      scf.if %cond3A_91 {
        %add3A_119 = arith.constant 2 : i32
        %add3A_120 = arith.addi %add3A_70, %add3A_119 : i32
        %mul3A_121 = arith.constant 32 : i32
        %mul3A_122 = arith.muli %add3A_120, %mul3A_121 : i32
        %dma_start3A_123 = arith.constant 0 : i32
        %dma_start3A_124 = arith.constant 0 : i32
        %dma_start3A_125 = arith.constant 0 : i32
        %dma_start3A_126 = arith.constant 0 : i32
        %dma_start3A_127 = tpu.memref_slice %arg6[%dma_start3A_123, %dma_start3A_125, %dma_start3A_126] : memref<2x32x1024xf32, #tpu.memory_space<vmem>> -> memref<1x32x1024xf32, #tpu.memory_space<vmem>>
        %dma_start3A_128 = tpu.memref_squeeze %dma_start3A_127 : memref<1x32x1024xf32, #tpu.memory_space<vmem>> -> memref<32x1024xf32, #tpu.memory_space<vmem>>
        %dma_start3A_129 = tpu.memref_slice %arg5[%mul3A_122] : memref<1024xi32, #tpu.memory_space<vmem>> -> memref<32xi32, #tpu.memory_space<vmem>>
        %dma_start3A_130 = arith.constant 0 : i32
        %dma_start3A_131 = arith.constant 0 : i32
        %dma_start3A_132 = tpu.memref_slice %arg3[%dma_start3A_130, %dma_start3A_131] : memref<8194x1024xf32, #tpu.memory_space<hbm>> -> memref<8194x1024xf32, #tpu.memory_space<hbm>>
        %dma_start3A_133 = tpu.memref_slice %arg7[%dma_start3A_124] : memref<2x!tpu.dma_semaphore, #tpu.memory_space<semaphore_mem>> -> memref<1x!tpu.dma_semaphore, #tpu.memory_space<semaphore_mem>>
        %dma_start3A_134 = tpu.memref_squeeze %dma_start3A_133 : memref<1x!tpu.dma_semaphore, #tpu.memory_space<semaphore_mem>> -> memref<!tpu.dma_semaphore, #tpu.memory_space<semaphore_mem>>
        tpu.enqueue_indirect_dma source(%dma_start3A_132 : memref<8194x1024xf32, #tpu.memory_space<hbm>>) target(%dma_start3A_128 : memref<32x1024xf32, #tpu.memory_space<vmem>>) offsets(%dma_start3A_129 : memref<32xi32, #tpu.memory_space<vmem>>) semaphore(%dma_start3A_134 : memref<!tpu.dma_semaphore, #tpu.memory_space<semaphore_mem>>)
      } else {
      }
      %add3A_92 = arith.constant 1 : i32
      %add3A_93 = arith.addi %add3A_68, %add3A_92 : i32
      %mul3A_94 = arith.constant 32 : i32
      %mul3A_95 = arith.muli %add3A_93, %mul3A_94 : i32
      %dma_wait3A_96 = arith.constant 1 : i32
      %dma_wait3A_97 = arith.constant 1 : i32
      %dma_wait3A_98 = arith.constant 0 : i32
      %dma_wait3A_99 = arith.constant 0 : i32
      %dma_wait3A_100 = tpu.memref_slice %arg6[%dma_wait3A_96, %dma_wait3A_98, %dma_wait3A_99] : memref<2x32x1024xf32, #tpu.memory_space<vmem>> -> memref<1x32x1024xf32, #tpu.memory_space<vmem>>
      %dma_wait3A_101 = tpu.memref_squeeze %dma_wait3A_100 : memref<1x32x1024xf32, #tpu.memory_space<vmem>> -> memref<32x1024xf32, #tpu.memory_space<vmem>>
      %dma_wait3A_102 = tpu.memref_slice %arg5[%mul3A_95] : memref<1024xi32, #tpu.memory_space<vmem>> -> memref<32xi32, #tpu.memory_space<vmem>>
      %dma_wait3A_103 = arith.constant 0 : i32
      %dma_wait3A_104 = arith.constant 0 : i32
      %dma_wait3A_105 = tpu.memref_slice %arg3[%dma_wait3A_103, %dma_wait3A_104] : memref<8194x1024xf32, #tpu.memory_space<hbm>> -> memref<8194x1024xf32, #tpu.memory_space<hbm>>
      %dma_wait3A_106 = tpu.memref_slice %arg7[%dma_wait3A_97] : memref<2x!tpu.dma_semaphore, #tpu.memory_space<semaphore_mem>> -> memref<1x!tpu.dma_semaphore, #tpu.memory_space<semaphore_mem>>
      %dma_wait3A_107 = tpu.memref_squeeze %dma_wait3A_106 : memref<1x!tpu.dma_semaphore, #tpu.memory_space<semaphore_mem>> -> memref<!tpu.dma_semaphore, #tpu.memory_space<semaphore_mem>>
      tpu.wait_indirect_dma semaphore(%dma_wait3A_107 : memref<!tpu.dma_semaphore, #tpu.memory_space<semaphore_mem>>) src(%dma_wait3A_105 : memref<8194x1024xf32, #tpu.memory_space<hbm>>) dst(%dma_wait3A_101 : memref<32x1024xf32, #tpu.memory_space<vmem>>)
      %mul3A_108 = arith.constant 32 : i32
      %mul3A_109 = arith.muli %add3A_93, %mul3A_108 : i32
      %add3A_110 = arith.addi %mul3A_2, %mul3A_109 : i32
      %run_scoped3A_111 = arith.constant 1 : i32
      "tpu.region"() ({
        %run_scoped3A_119 = tpu.sem_alloc : memref<!tpu.dma_semaphore, #tpu.memory_space<semaphore_mem>>
        %dma_start3A_120 = arith.constant 0 : i32
        %dma_start3A_121 = arith.constant 0 : i32
        %dma_start3A_122 = tpu.memref_slice %arg6[%run_scoped3A_111, %dma_start3A_120, %dma_start3A_121] : memref<2x32x1024xf32, #tpu.memory_space<vmem>> -> memref<1x32x1024xf32, #tpu.memory_space<vmem>>
        %dma_start3A_123 = tpu.memref_squeeze %dma_start3A_122 : memref<1x32x1024xf32, #tpu.memory_space<vmem>> -> memref<32x1024xf32, #tpu.memory_space<vmem>>
        %dma_start3A_124 = arith.constant 0 : i32
        %dma_start3A_125 = tpu.memref_slice %arg4[%add3A_110, %dma_start3A_124] : memref<32768x1024xf32, #tpu.memory_space<hbm>> -> memref<32x1024xf32, #tpu.memory_space<hbm>>
        %dma_start3A_126 = arith.constant 0 : i32
        %dma_start3A_127 = tpu.memref_slice %arg4[%add3A_110, %dma_start3A_126] : memref<32768x1024xf32, #tpu.memory_space<hbm>> -> memref<32x1024xf32, #tpu.memory_space<hbm>>
        %dma_start3A_128 = arith.constant 0 : i32
        %dma_start3A_129 = arith.constant 0 : i32
        %dma_start3A_130 = tpu.memref_slice %arg6[%run_scoped3A_111, %dma_start3A_128, %dma_start3A_129] : memref<2x32x1024xf32, #tpu.memory_space<vmem>> -> memref<1x32x1024xf32, #tpu.memory_space<vmem>>
        %dma_start3A_131 = tpu.memref_squeeze %dma_start3A_130 : memref<1x32x1024xf32, #tpu.memory_space<vmem>> -> memref<32x1024xf32, #tpu.memory_space<vmem>>
        tpu.enqueue_dma source(%dma_start3A_131 : memref<32x1024xf32, #tpu.memory_space<vmem>>) target(%dma_start3A_127 : memref<32x1024xf32, #tpu.memory_space<hbm>>) target_semaphore(%run_scoped3A_119 : memref<!tpu.dma_semaphore, #tpu.memory_space<semaphore_mem>>)
        %dma_wait3A_132 = arith.constant 0 : i32
        %dma_wait3A_133 = arith.constant 0 : i32
        %dma_wait3A_134 = tpu.memref_slice %arg6[%run_scoped3A_111, %dma_wait3A_132, %dma_wait3A_133] : memref<2x32x1024xf32, #tpu.memory_space<vmem>> -> memref<1x32x1024xf32, #tpu.memory_space<vmem>>
        %dma_wait3A_135 = tpu.memref_squeeze %dma_wait3A_134 : memref<1x32x1024xf32, #tpu.memory_space<vmem>> -> memref<32x1024xf32, #tpu.memory_space<vmem>>
        %dma_wait3A_136 = arith.constant 0 : i32
        %dma_wait3A_137 = tpu.memref_slice %arg4[%add3A_110, %dma_wait3A_136] : memref<32768x1024xf32, #tpu.memory_space<hbm>> -> memref<32x1024xf32, #tpu.memory_space<hbm>>
        %dma_wait3A_138 = arith.constant 0 : i32
        %dma_wait3A_139 = tpu.memref_slice %arg4[%add3A_110, %dma_wait3A_138] : memref<32768x1024xf32, #tpu.memory_space<hbm>> -> memref<32x1024xf32, #tpu.memory_space<hbm>>
        %dma_wait3A_140 = arith.constant 0 : i32
        %dma_wait3A_141 = arith.constant 0 : i32
        %dma_wait3A_142 = tpu.memref_slice %arg6[%run_scoped3A_111, %dma_wait3A_140, %dma_wait3A_141] : memref<2x32x1024xf32, #tpu.memory_space<vmem>> -> memref<1x32x1024xf32, #tpu.memory_space<vmem>>
        %dma_wait3A_143 = tpu.memref_squeeze %dma_wait3A_142 : memref<1x32x1024xf32, #tpu.memory_space<vmem>> -> memref<32x1024xf32, #tpu.memory_space<vmem>>
        tpu.wait_dma2 semaphore(%run_scoped3A_119 : memref<!tpu.dma_semaphore, #tpu.memory_space<semaphore_mem>>) src(%dma_wait3A_143 : memref<32x1024xf32, #tpu.memory_space<vmem>>) dst(%dma_wait3A_139 : memref<32x1024xf32, #tpu.memory_space<hbm>>)
        tpu.yield
      }) : () -> ()
      %add3A_112 = arith.constant 2 : i32
      %add3A_113 = arith.addi %add3A_93, %add3A_112 : i32
      %lt3A_114 = arith.constant 32 : i32
      %lt3A_115 = arith.cmpi slt, %add3A_113, %lt3A_114 : i32
      %convert_element_type3A_116 = arith.extui %lt3A_115 : i1 to i32
      %cond3A_117 = arith.constant 0 : i32
      %cond3A_118 = arith.cmpi ne, %convert_element_type3A_116, %cond3A_117 : i32
      scf.if %cond3A_118 {
        %add3A_119 = arith.constant 2 : i32
        %add3A_120 = arith.addi %add3A_93, %add3A_119 : i32
        %mul3A_121 = arith.constant 32 : i32
        %mul3A_122 = arith.muli %add3A_120, %mul3A_121 : i32
        %dma_start3A_123 = arith.constant 1 : i32
        %dma_start3A_124 = arith.constant 1 : i32
        %dma_start3A_125 = arith.constant 0 : i32
        %dma_start3A_126 = arith.constant 0 : i32
        %dma_start3A_127 = tpu.memref_slice %arg6[%dma_start3A_123, %dma_start3A_125, %dma_start3A_126] : memref<2x32x1024xf32, #tpu.memory_space<vmem>> -> memref<1x32x1024xf32, #tpu.memory_space<vmem>>
        %dma_start3A_128 = tpu.memref_squeeze %dma_start3A_127 : memref<1x32x1024xf32, #tpu.memory_space<vmem>> -> memref<32x1024xf32, #tpu.memory_space<vmem>>
        %dma_start3A_129 = tpu.memref_slice %arg5[%mul3A_122] : memref<1024xi32, #tpu.memory_space<vmem>> -> memref<32xi32, #tpu.memory_space<vmem>>
        %dma_start3A_130 = arith.constant 0 : i32
        %dma_start3A_131 = arith.constant 0 : i32
        %dma_start3A_132 = tpu.memref_slice %arg3[%dma_start3A_130, %dma_start3A_131] : memref<8194x1024xf32, #tpu.memory_space<hbm>> -> memref<8194x1024xf32, #tpu.memory_space<hbm>>
        %dma_start3A_133 = tpu.memref_slice %arg7[%dma_start3A_124] : memref<2x!tpu.dma_semaphore, #tpu.memory_space<semaphore_mem>> -> memref<1x!tpu.dma_semaphore, #tpu.memory_space<semaphore_mem>>
        %dma_start3A_134 = tpu.memref_squeeze %dma_start3A_133 : memref<1x!tpu.dma_semaphore, #tpu.memory_space<semaphore_mem>> -> memref<!tpu.dma_semaphore, #tpu.memory_space<semaphore_mem>>
        tpu.enqueue_indirect_dma source(%dma_start3A_132 : memref<8194x1024xf32, #tpu.memory_space<hbm>>) target(%dma_start3A_128 : memref<32x1024xf32, #tpu.memory_space<vmem>>) offsets(%dma_start3A_129 : memref<32xi32, #tpu.memory_space<vmem>>) semaphore(%dma_start3A_134 : memref<!tpu.dma_semaphore, #tpu.memory_space<semaphore_mem>>)
      } else {
      }
    }
    %scan3A_63 = arith.constant 16 : i32
    return
  }
}

</mosaic_0001>

<sc_bundles>
// kernel: _sc_gather.3.cloned.1.call-start
scs
__scs_entry_jumppad:
0x0: {  	(pc) =	sbr.rel $0x88, $3  }
0x1: {  	(tag) =	ssettag $0x0;
	lr =	simm.s32 $0x1  }
0x2: {  	[smem:$0x3F9F] =	sst lr;
	_ =	strace $0xD0000000  }
0x3: {  	_ = 	snop  }
0x4: {  	_ = 	snop  }
0x5: {  	_ = 	snop  }
0x6: {  	_ = 	snop  }
0x7: {  	_ = 	snop  }
__scs_overlays_trampoline_lowered:
0x8: {  	[smem:$0x3FAE] =	sst s0  }
0x9: {  	[smem:$0x3FAF] =	sst s1  }
0xa: {  	[smem:$0x3FB0] =	sst s2  }
0xb: {  	[smem:$0x3FB1] =	sst s3  }
0xc: {  	[smem:$0x3FB2] =	sst s4  }
0xd: {  	[smem:$0x3FB3] =	sst s5  }
0xe: {  	[smem:$0x3FB4] =	sst s6  }
0xf: {  	[smem:$0x3FB5] =	sst s7  }
0x10: {  	[smem:$0x3FB6] =	sst s8  }
0x11: {  	[smem:$0x3FB7] =	sst s9;
	s0 =	simm.s32 @!p0 $0x0  }
0x12: {  	s1 =	sld [smem:$0x3F9D];
	s0 =	simm.s32 @p0 $0x1  }
0x13: {  	[smem:$0x3FB8] =	sst s0;
	s0 =	simm.s32 @!p1 $0x0  }
0x14: {  	s2 =	sld [smem:$0x3F9C];
	s0 =	simm.s32 @p1 $0x1  }
0x15: {  	[smem:$0x3FB9] =	sst s0;
	s0 =	simm.s32 @!p2 $0x0  }
0x16: {  	s3 =	sld [smem:$0x3FDB];
	s0 =	simm.s32 @p2 $0x1  }
0x17: {  	s4 =	simm.s32 $0x1BF5;
	[smem:$0x3FBB] =	sst s0  }
0x18: {  	s0 =	sld [smem:$0x3F9E];
	_ =	swait.ge [sflag:s4], $0x0  }
0x19: {  	s7 =	sld [smem:$0x3F9F]  }
0x1a: {  	s8 =	sadd.s32 $0xFFFFE003, lr  }
0x1b: {  	s9 =	sadd.s32 $0xFFFFFEF7, lr;
	s5 =	simm.s32 $0xFFFFFFFF;
	p2 =	slt.u32 s8, $0xFFFFF086  }
0x1c: {  	p1 =	slt.u32 s9, $0xF7A;
	s5 =	simm.s32 @!p2 $0x0  }
0x1d: {  	s5 =	simm.s32 @p1 $0x1;
	p0 =	seq.s32 s7, s2  }
0x1e: {  	s7 =	smul.u32 @!p0 $0xF7A, s2;
	p2 =	seq.s32 @!p0 s5, $0x0  }
0x1f: {  	s9 =	smul.u32 $0xF7A, s1;
	s8 =	simm.s32 @!p0 $0x1BF5;
	p2 =	por !p2, p0  }
0x20: {  	[sflag:s8] =	ssyncset.s32 @!p0 $0xFFFFF086;
	s6 =	sadd.s32 @!p0 s3, s7;
	s7 =	simm.s32 @!p0 $0x108  }
0x21: {  	s3 =	sadd.s32 s3, s9;
	s6 =	sadd.s32 @!p0 $0x88, s6;
	s7 =	simm.s32 @p2 $0x1082  }
0x22: {  	[simem:s7], [sflag:s8] =	dma.local @!p0 [hbm:s6], $0xF7A  }
0x23: {  	s9 =	sor.u32 $0xD0000000, s2;
	s6 =	simm.s32 $0x108;
	_ =	swait.ge @!p0 [sflag:s8], $0x0  }
0x24: {  	s3 =	sadd.s32 $0x88, s3;
	s6 =	simm.s32 @!p1 $0x1082;
	[sflag:s4] =	ssyncset.s32 $0xFFFFF086  }
0x25: {  	[simem:s6], [sflag:s4] =	dma.local [hbm:s3], $0xF7A  }
0x26: {  	[smem:$0x3F9F] =	sst s1;
	(tag) =	ssettag s2;
	_ =	strace s9  }
0x27: {  	s1 =	sld [smem:$0x3FAF]  }
0x28: {  	s2 =	sld [smem:$0x3FB0]  }
0x29: {  	s4 =	sld [smem:$0x3FB2]  }
0x2a: {  	p0 =	seq.s32 s5, $0x0;
	s5 =	sld [smem:$0x3FB3]  }
0x2b: {  	s6 =	sld [smem:$0x3FB4]  }
0x2c: {  	s7 =	sld [smem:$0x3FB5]  }
0x2d: {  	s3 =	simm.s32 $0x108;
	s8 =	sld [smem:$0x3FB6]  }
0x2e: {  	s3 =	simm.s32 @!p0 $0x1082;
	s9 =	sld [smem:$0x3FB7]  }
0x2f: {  	lr =	sadd.s32 s0, s3;
	s0 =	sld [smem:$0x3FAE]  }
0x30: {  	s3 =	sld [smem:$0x3FB1]  }
0x31: {  	[smem:$0x3FBA] =	sst s10  }
0x32: {  	s10 =	sld [smem:$0x3FB8];
	_ =	sdelay $0x3  }
0x33: {  	p0 =	seq.s32 s10, $0x1;
	s10 =	sld [smem:$0x3FBA];
	_ =	sdelay $0x3  }
0x34: {  	[smem:$0x3FBA] =	sst s10  }
0x35: {  	s10 =	sld [smem:$0x3FB9];
	_ =	sdelay $0x3  }
0x36: {  	p1 =	seq.s32 s10, $0x1;
	s10 =	sld [smem:$0x3FBA];
	_ =	sdelay $0x3  }
0x37: {  	[smem:$0x3FBA] =	sst s10  }
0x38: {  	s10 =	sld [smem:$0x3FBB]  }
0x39: {  	_ = 	snop;
	(pc) =	sbr.ind lr, $3  }
0x3a: {  	_ = 	snop  }
0x3b: {  	_ = 	snop  }
0x3c: {  	p2 =	seq.s32 s10, $0x1;
	s10 =	sld [smem:$0x3FBA]  }
0x3d: {  	_ =	shalt  }
0x3e: {  	_ =	shalt  }
0x3f: {  	_ =	shalt  }
0x40: {  	_ =	shalt  }
0x41: {  	_ =	shalt  }
0x42: {  	_ =	shalt  }
0x43: {  	_ =	shalt  }
0x44: {  	_ =	shalt  }
0x45: {  	_ =	shalt  }
0x46: {  	_ =	shalt  }
0x47: {  	_ =	shalt  }
0x48: {  	_ =	shalt  }
0x49: {  	_ =	shalt  }
0x4a: {  	_ =	shalt  }
0x4b: {  	_ =	shalt  }
0x4c: {  	_ =	shalt  }
0x4d: {  	_ =	shalt  }
0x4e: {  	_ =	shalt  }
0x4f: {  	_ =	shalt  }
0x50: {  	_ =	shalt  }
0x51: {  	_ =	shalt  }
0x52: {  	_ =	shalt  }
0x53: {  	_ =	shalt  }
0x54: {  	_ =	shalt  }
0x55: {  	_ =	shalt  }
0x56: {  	_ =	shalt  }
0x57: {  	_ =	shalt  }
0x58: {  	_ =	shalt  }
0x59: {  	_ =	shalt  }
0x5a: {  	_ =	shalt  }
0x5b: {  	_ =	shalt  }
0x5c: {  	_ =	shalt  }
0x5d: {  	_ =	shalt  }
0x5e: {  	_ =	shalt  }
0x5f: {  	_ =	shalt  }
0x60: {  	_ =	shalt  }
0x61: {  	_ =	shalt  }
0x62: {  	_ =	shalt  }
0x63: {  	_ =	shalt  }
0x64: {  	_ =	shalt  }
0x65: {  	_ =	shalt  }
0x66: {  	_ =	shalt  }
0x67: {  	_ =	shalt  }
0x68: {  	_ =	shalt  }
0x69: {  	_ =	shalt  }
0x6a: {  	_ =	shalt  }
0x6b: {  	_ =	shalt  }
0x6c: {  	_ =	shalt  }
0x6d: {  	_ =	shalt  }
0x6e: {  	_ =	shalt  }
0x6f: {  	_ =	shalt  }
0x70: {  	_ =	shalt  }
0x71: {  	_ =	shalt  }
0x72: {  	_ =	shalt  }
0x73: {  	_ =	shalt  }
0x74: {  	_ =	shalt  }
0x75: {  	_ =	shalt  }
0x76: {  	_ =	shalt  }
0x77: {  	_ =	shalt  }
0x78: {  	_ =	shalt  }
0x79: {  	_ =	shalt  }
0x7a: {  	_ =	shalt  }
0x7b: {  	_ =	shalt  }
0x7c: {  	_ =	shalt  }
0x7d: {  	_ =	shalt  }
0x7e: {  	_ =	shalt  }
0x7f: {  	_ =	shalt  }
0x80: {  	_ =	shalt  }
0x81: {  	_ =	shalt  }
0x82: {  	_ =	shalt  }
0x83: {  	_ =	shalt  }
0x84: {  	_ =	shalt  }
0x85: {  	_ =	shalt  }
0x86: {  	_ =	shalt  }
0x87: {  	_ =	shalt  }
.Lfunc_end0:
.L_simem_size_0:
called_computation_lowered:
.L_overlay_start_0:
0x88: {  	s2 =	sld [smem:$0x3FD9]  }
0x89: {  	s3 =	sld [smem:$0x3FFE];
	_ =	sdelay $0x1  }
0x8a: {  	s1 =	srdreg.scid  }
0x8b: {  	s0 =	sand.u32 $0x1, s1  }
0x8c: {  	s18 =	sshll.u32 s0, $0xA;
	s2 =	sadd.s32 s3, s2  }
0x8d: {  	s2 =	sadd.s32 s2, s18  }
0x8e: {  	[smem:$0x3FC6] =	sst s2  }
0x8f: {  	_ = 	snop  }
0x90: {  	s2 =	sld [smem:$0x3FC9]  }
0x91: {  	s19 =	sld [smem:$0x3FC8]  }
0x92: {  	s4 =	sld [smem:$0x3FD0];
	(tm) =	ssettm $0x1  }
0x93: {  	s5 =	sld [smem:$0x3FFB];
	_ =	sdelay $0x3  }
0x94: {  	_ =	strace s5  }
0x95: {  	s5 =	sld [smem:$0x3FFC];
	_ =	sdelay $0x3  }
0x96: {  	_ =	strace s5  }
0x97: {  	s5 =	sld [smem:$0x3FFD];
	_ =	sdelay $0x3  }
0x98: {  	_ =	strace s5  }
0x99: {  	_ =	strace $0x8FFFFFFF  }
0x9a: {  	s20 =	sld [smem:$0x3FDB];
	_ =	sdelay $0x1  }
0x9b: {  	s6 =	simm.s32 $_scs_section_size  }
0x9c: {  	s7 =	simm.s32 $_size__tile_overlayer_lowered;
	s8 =	simm.s32 $_tile_overlayer_lowered  }
0x9d: {  	s23 =	simm.s32 $0x1BFF;
	s22 =	sshll.u32 s8, $0x1;
	s5 =	sadd.s32 s6, s20  }
0x9e: {  	s9 =	simm.s32 $0x0;
	s21 =	sshll.u32 s7, $0x1;
	s7 =	sadd.s32 s22, s5  }
0x9f: {  	[timem:s9], [sflag:s23] =	dma.local [hbm:s7], s21  }
0xa0: {  	_ =	swait.ge [sflag:s23], s21  }
0xa1: {  	s6 =	ssub.s32 $0x0, s21;
	[sflag:s23] =	ssyncset.done $0x0  }
0xa2: {  	[sflag:s23] =	ssyncadd.s32 s6;
	_ =	sdelay $0x1  }
0xa3: {  	s24 =	simm.s32 $0x1B8B  }
0xa4: {  	_ =	swait.ge [sflag:s24], $0x1  }
0xa5: {  	[sflag:s24] =	ssyncset.done $0x0  }
0xa6: {  	s25 =	simm.s32 $0x1B8E;
	[sflag:s24] =	ssyncadd.s32 $0xFFFFFFFF  }
0xa7: {  	s26 =	simm.s32 $execute0_lowered;
	[smem:$0x3FD2] =	sst s25  }
0xa8: {  	s6 =	sshll.u32 s26, $0x1;
	_ =	strace $0x80000046;
	[dreg:$0x1] =	wrdreg $0xFFFFFFFF  }
0xa9: {  	s28 =	simm.s32 $_size_execute0_lowered;
	s5 =	sadd.s32 s5, s6;
	[dreg:$0x0] =	wrdreg $0x0  }
0xaa: {  	s6 =	sshll.u32 s28, $0x1;
	[dreg:$0x2] =	wrdreg s5  }
0xab: {  	[dreg:$0x3] =	wrdreg s6  }
0xac: {  	[dreg:$0x4] =	wrdreg $0xC0  }
0xad: {  	_ =	task [dreg:s9], $0x5FFFF  }
0xae: {  	[dreg:$0x1] =	wrdreg $0xFFFFFFFF  }
0xaf: {  	[dreg:$0x0] =	wrdreg $0x60  }
0xb0: {  	[dreg:$0x2] =	wrdreg s2  }
0xb1: {  	[dreg:$0x3] =	wrdreg s19  }
0xb2: {  	[dreg:$0x4] =	wrdreg s4  }
0xb3: {  	[dreg:$0x5] =	wrdreg $0x9  }
0xb4: {  	_ =	task.clear_ibuf [dreg:s9], $0x6FFFF;
	_ =	strace $0x90000046  }
0xb5: {  	s29 =	simm.s32 $0x9;
	_ =	strace $0x80000048  }
0xb6: {  	_ =	swait.ge [sflag:s29], $0x1  }
0xb7: {  	[sflag:s29] =	ssyncadd.s32 $0xFFFFFFFF  }
0xb8: {  	_ =	strace $0x90000048  }
0xb9: {  	_ =	sfence  }
0xba: {  	s30 =	sld [smem:$0x0];
	_ =	sdelay $0x2  }
0xbb: {  	s31 =	sshll.u32 s1, $0xD;
	s1 =	sshrl.u32 s1, $0x2  }
0xbc: {  	s3 =	sand.u32 $0x4000, s31;
	s1 =	sadd.s32 s1, s30  }
0xbd: {  	s0 =	sor.u32 s3, s0;
	s1 =	sshll.u32 s1, $0x11  }
0xbe: {  	s0 =	sor.u32 s1, s0  }
0xbf: {  	s0 =	sadd.s32 $0x8F2B, s0  }
0xc0: {  	[sflag:s0] =	ssyncadd.remote.s32 $0x1  }
0xc1: {  	_ =	sfence.sel $0xFFFF  }
0xc2: {  	[dreg:$0x0] =	wrdreg $0xFFFFFFFF;
	(pc) =	sbr.abs _section_cstart, $3  }
0xc3: {  	[dreg:$0x1] =	wrdreg $0xFFFFFFFF  }
0xc4: {  	_ =	task.clear_ibuf [dreg:s9], $0x2FFFF;
	_ =	strace $0x9FFFFFFF  }
0xc5: {  	(tm) =	ssettm $0x7FFFFFFF  }
tec
execute0_lowered:
.L_overlay_start_1:
0x0: {  	(tag) =	ssettag $0x1  }
0x1: {  	s0 =	rddreg [dreg:$0x0]  }
0x2: {  	s1 =	rddreg [dreg:$0x1]  }
0x3: {  	s2 =	rddreg [dreg:$0x2];
	s3 =	simm.s32 $0x0  }
0x4: {  	s4 =	srdreg.scid;
	s9 =	stileid.u32;
	s12 =	simm.s32 $0x3  }
0x5: {  	s13 =	simm.s32 $0x400;
	s30 =	simm.s32 $0x8400;
	s31 =	simm.s32 $0x8C00  }
0x6: {  	s10 =	simm.s32 $0xA400;
	s11 =	simm.s32 $0xAC00;
	s14 =	simm.s32 $0xB400  }
0x7: {  	s15 =	simm.s32 $0xBC00;
	s16 =	simm.s32 $0xC400;
	s17 =	simm.s32 $0xCC00  }
0x8: {  	s18 =	simm.s32 $0xD400;
	s19 =	simm.s32 $0xDC00;
	s20 =	simm.s32 $0xE400  }
0x9: {  	s21 =	simm.s32 $0xEC00;
	s22 =	simm.s32 $0xF400;
	s23 =	simm.s32 $0xFC00  }
0xa: {  	s24 =	simm.s32 $0x1;
	[smem:$0x7FF] =	sst s3;
	s4 =	sand.u32 $0x1, s4  }
0xb: {  	s5 =	sshll.u32 s9, $0xA;
	s7 =	sshll.u32 s9, $0x2;
	s28 =	sshll.u32 s9, $0x12  }
0xc: {  	_ =	strace $0x80000047;
	s6 =	sshll.u32 s4, $0x9;
	s8 =	ssub.s32 $0x2, s4  }
0xd: {  	s25 =	sand.u32 $0x30, s7;
	s7 =	sadd.s32 $0x300, s1;
	s29 =	sshll.u32 s4, $0x11  }
0xe: {  	s5 =	sor.u32 s6, s5;
	s26 =	sshrl.u32 s8, $0x1;
	s0 =	sadd.s32 s0, s25  }
.Ltmp0:
0xf: {  	s6 =	sadd.s32 $0x200, s1;
	s5 =	sand.u32 $0xE00, s5;
	(pc) =	sbr.rel .LBB2_1-.Ltmp0, $4  }
0x10: {  	s25 =	simm.s32 $0x2;
	s8 =	ssub.s32 s8, s26;
	s0 =	sadd.s32 s5, s0  }
0x11: {  	v2 =	vlaneseq.u32;
	s5 =	sadd.s32 $0x100, s1;
	s8 =	smax.u32 s8, $0x1;
	[dreg:$0x4] =	wrdreg s0  }
0x12: {  	vm0 =	vmmov $0xffff;
	v1 =	vshrl.u32 v2, $0x3;
	[dreg:$0x5] =	wrdreg s8;
	s0 =	sadd.s32 s28, s2;
	s2 =	simm.s32 $0x9C00  }
0x13: {  	v0 =	vand.u32 $0x7, v2;
	v2 =	vor.u32 $0x8, v2;
	v1 =	vmul.u32 $0x8, v1;
	s8 =	simm.s32 $0x0;
	s9 =	sadd.s32 s29, s0;
	s0 =	simm.s32 $0x9400  }
.LBB2_4:
0x14: {  	s8 =	rddreg [dreg:$0x6]  }
0x15: {  	s4 =	rddreg [dreg:$0x5];
	s8 =	sadd.s32 $0x1, s8  }
0x16: {  	p0 =	sne.s32 s8, s4  }
.Ltmp1:
0x17: {  	_ = 	snop;
	(pc) =	sbr.rel @!p0 .LBB2_5-.Ltmp1, $1  }
0x18: {  	_ =	sdelay $0x3  }
.LBB2_1:
0x19: {  	[dreg:$0x6] =	wrdreg s8  }
0x1a: {  	s4 =	rddreg [dreg:$0x4];
	s8 =	simm.s32 $0x80;
	s26 =	simm.s32 $0x200  }
0x1b: {  	[tilespmem:s3], [sflag:$0x3] =	stream.strided.gather [hbm4b:s4+s8], $0x400, s26, s8, $0x38;
	[tilespmem:$0x10400] =	vst v63  }
0x1c: {  	_ =	swait.ge [sflag:s12], $0x400  }
0x1d: {  	[sflag:s12] =	ssyncset.done $0x0  }
0x1e: {  	[sflag:s12] =	ssyncadd.s32 $0xFFFFFC00  }
0x1f: {  	v3 =	vld [tilespmem:$0x0];
	_ =	sdelay $0x4  }
0x20: {  	v4 =	vshll.u32 v3, $0x3  }
0x21: {  	v3 =	vand.u32 $0x7, v3;
	v4 =	vand.u32 $0xFFFFFFC0, v4  }
0x22: {  	v3 =	vor.u32 v3, v4  }
0x23: {  	v4 =	vperm.xlane v3, v0;
	_ =	sdelay $0x1  }
0x24: {  	v4 =	vadd.s32 v1, v4;
	_ =	sdelay $0x4  }
0x25: {  	[tilespmem:s13], [sflag:$0x1] =	stream.indirect_vreg.gather [hbm4b:s1+s3], $0x80, v4, vm0, $0xb8;
	[tilespmem:$0x10400] =	vst v63  }
0x26: {  	s26 =	simm.s32 $0xC00;
	v3 =	vperm.xlane v3, v2  }
0x27: {  	[tilespmem:s26], [sflag:$0x1] =	stream.indirect_vreg.gather [hbm4b:s5+s3], $0x80, v4, vm0, $0xb8;
	[tilespmem:$0x10400] =	vst v63  }
0x28: {  	s8 =	simm.s32 $0x1400;
	v3 =	vadd.s32 v1, v3  }
0x29: {  	[tilespmem:s8], [sflag:$0x1] =	stream.indirect_vreg.gather [hbm4b:s6+s3], $0x80, v4, vm0, $0xb8;
	[tilespmem:$0x10400] =	vst v63  }
0x2a: {  	s26 =	simm.s32 $0x1C00  }
0x2b: {  	[tilespmem:s26], [sflag:$0x1] =	stream.indirect_vreg.gather [hbm4b:s7+s3], $0x80, v4, vm0, $0xb8;
	[tilespmem:$0x10400] =	vst v63  }
0x2c: {  	s8 =	simm.s32 $0x2400  }
0x2d: {  	[tilespmem:s8], [sflag:$0x1] =	stream.indirect_vreg.gather [hbm4b:s1+s3], $0x80, v3, vm0, $0xb8;
	[tilespmem:$0x10400] =	vst v63  }
0x2e: {  	s26 =	simm.s32 $0x2C00  }
0x2f: {  	[tilespmem:s26], [sflag:$0x1] =	stream.indirect_vreg.gather [hbm4b:s5+s3], $0x80, v3, vm0, $0xb8;
	[tilespmem:$0x10400] =	vst v63  }
0x30: {  	s8 =	simm.s32 $0x3400  }
0x31: {  	[tilespmem:s8], [sflag:$0x1] =	stream.indirect_vreg.gather [hbm4b:s6+s3], $0x80, v3, vm0, $0xb8;
	[tilespmem:$0x10400] =	vst v63  }
0x32: {  	s26 =	simm.s32 $0x3C00  }
0x33: {  	[tilespmem:s26], [sflag:$0x1] =	stream.indirect_vreg.gather [hbm4b:s7+s3], $0x80, v3, vm0, $0xb8;
	[tilespmem:$0x10400] =	vst v63  }
0x34: {  	v3 =	vld [tilespmem:$0x10];
	_ =	sdelay $0x4  }
0x35: {  	v61 =	vshll.u32 v3, $0x3  }
0x36: {  	v3 =	vand.u32 $0x7, v3;
	v4 =	vand.u32 $0xFFFFFFC0, v61  }
0x37: {  	v3 =	vor.u32 v3, v4  }
0x38: {  	v4 =	vperm.xlane v3, v0;
	_ =	sdelay $0x1  }
0x39: {  	v4 =	vadd.s32 v1, v4;
	_ =	sdelay $0x3  }
0x3a: {  	s8 =	simm.s32 $0x4400  }
0x3b: {  	[tilespmem:s8], [sflag:$0x1] =	stream.indirect_vreg.gather [hbm4b:s1+s3], $0x80, v4, vm0, $0xb8;
	[tilespmem:$0x10400] =	vst v63  }
0x3c: {  	s26 =	simm.s32 $0x4C00;
	v3 =	vperm.xlane v3, v2  }
0x3d: {  	[tilespmem:s26], [sflag:$0x1] =	stream.indirect_vreg.gather [hbm4b:s5+s3], $0x80, v4, vm0, $0xb8;
	[tilespmem:$0x10400] =	vst v63  }
0x3e: {  	v3 =	vadd.s32 v1, v3;
	s8 =	simm.s32 $0x5400  }
0x3f: {  	[tilespmem:s8], [sflag:$0x1] =	stream.indirect_vreg.gather [hbm4b:s6+s3], $0x80, v4, vm0, $0xb8;
	[tilespmem:$0x10400] =	vst v63  }
0x40: {  	s26 =	simm.s32 $0x5C00  }
0x41: {  	[tilespmem:s26], [sflag:$0x1] =	stream.indirect_vreg.gather [hbm4b:s7+s3], $0x80, v4, vm0, $0xb8;
	[tilespmem:$0x10400] =	vst v63  }
0x42: {  	s8 =	simm.s32 $0x6400  }
0x43: {  	[tilespmem:s8], [sflag:$0x1] =	stream.indirect_vreg.gather [hbm4b:s1+s3], $0x80, v3, vm0, $0xb8;
	[tilespmem:$0x10400] =	vst v63  }
0x44: {  	s26 =	simm.s32 $0x6C00  }
0x45: {  	[tilespmem:s26], [sflag:$0x1] =	stream.indirect_vreg.gather [hbm4b:s5+s3], $0x80, v3, vm0, $0xb8;
	[tilespmem:$0x10400] =	vst v63  }
0x46: {  	s8 =	simm.s32 $0x7400  }
0x47: {  	[tilespmem:s8], [sflag:$0x1] =	stream.indirect_vreg.gather [hbm4b:s6+s3], $0x80, v3, vm0, $0xb8;
	[tilespmem:$0x10400] =	vst v63  }
0x48: {  	s26 =	simm.s32 $0x7C00  }
0x49: {  	[tilespmem:s26], [sflag:$0x1] =	stream.indirect_vreg.gather [hbm4b:s7+s3], $0x80, v3, vm0, $0xb8;
	[tilespmem:$0x10400] =	vst v63  }
0x4a: {  	v3 =	vld [tilespmem:$0x20];
	_ =	sdelay $0x4  }
0x4b: {  	v62 =	vshll.u32 v3, $0x3  }
0x4c: {  	v3 =	vand.u32 $0x7, v3;
	v4 =	vand.u32 $0xFFFFFFC0, v62  }
0x4d: {  	v3 =	vor.u32 v3, v4  }
0x4e: {  	v4 =	vperm.xlane v3, v0;
	_ =	sdelay $0x1  }
0x4f: {  	v4 =	vadd.s32 v1, v4;
	_ =	sdelay $0x4  }
0x50: {  	[tilespmem:s30], [sflag:$0x2] =	stream.indirect_vreg.gather [hbm4b:s1+s3], $0x80, v4, vm0, $0xb8;
	[tilespmem:$0x10400] =	vst v63  }
0x51: {  	v3 =	vperm.xlane v3, v2  }
0x52: {  	[tilespmem:s31], [sflag:$0x2] =	stream.indirect_vreg.gather [hbm4b:s5+s3], $0x80, v4, vm0, $0xb8;
	[tilespmem:$0x10400] =	vst v63  }
0x53: {  	v3 =	vadd.s32 v1, v3  }
0x54: {  	[tilespmem:s0], [sflag:$0x2] =	stream.indirect_vreg.gather [hbm4b:s6+s3], $0x80, v4, vm0, $0xb8;
	[tilespmem:$0x10400] =	vst v63  }
0x55: {  	_ = 	snop  }
0x56: {  	[tilespmem:s2], [sflag:$0x2] =	stream.indirect_vreg.gather [hbm4b:s7+s3], $0x80, v4, vm0, $0xb8;
	[tilespmem:$0x10400] =	vst v63  }
0x57: {  	_ = 	snop  }
0x58: {  	[tilespmem:s10], [sflag:$0x2] =	stream.indirect_vreg.gather [hbm4b:s1+s3], $0x80, v3, vm0, $0xb8;
	[tilespmem:$0x10400] =	vst v63  }
0x59: {  	_ = 	snop  }
0x5a: {  	[tilespmem:s11], [sflag:$0x2] =	stream.indirect_vreg.gather [hbm4b:s5+s3], $0x80, v3, vm0, $0xb8;
	[tilespmem:$0x10400] =	vst v63  }
0x5b: {  	_ = 	snop  }
0x5c: {  	[tilespmem:s14], [sflag:$0x2] =	stream.indirect_vreg.gather [hbm4b:s6+s3], $0x80, v3, vm0, $0xb8;
	[tilespmem:$0x10400] =	vst v63  }
0x5d: {  	_ = 	snop  }
0x5e: {  	[tilespmem:s15], [sflag:$0x2] =	stream.indirect_vreg.gather [hbm4b:s7+s3], $0x80, v3, vm0, $0xb8;
	[tilespmem:$0x10400] =	vst v63  }
0x5f: {  	v3 =	vld [tilespmem:$0x30];
	_ =	sdelay $0x4  }
0x60: {  	v63 =	vshll.u32 v3, $0x3  }
0x61: {  	v3 =	vand.u32 $0x7, v3;
	v4 =	vand.u32 $0xFFFFFFC0, v63  }
0x62: {  	v3 =	vor.u32 v3, v4  }
0x63: {  	v4 =	vperm.xlane v3, v0;
	_ =	sdelay $0x1  }
0x64: {  	v4 =	vadd.s32 v1, v4;
	_ =	sdelay $0x4  }
0x65: {  	[tilespmem:s16], [sflag:$0x2] =	stream.indirect_vreg.gather [hbm4b:s1+s3], $0x80, v4, vm0, $0xb8;
	[tilespmem:$0x10400] =	vst v63  }
0x66: {  	v3 =	vperm.xlane v3, v2  }
0x67: {  	[tilespmem:s17], [sflag:$0x2] =	stream.indirect_vreg.gather [hbm4b:s5+s3], $0x80, v4, vm0, $0xb8;
	[tilespmem:$0x10400] =	vst v63  }
0x68: {  	v3 =	vadd.s32 v1, v3  }
0x69: {  	[tilespmem:s18], [sflag:$0x2] =	stream.indirect_vreg.gather [hbm4b:s6+s3], $0x80, v4, vm0, $0xb8;
	[tilespmem:$0x10400] =	vst v63  }
0x6a: {  	_ = 	snop  }
0x6b: {  	[tilespmem:s19], [sflag:$0x2] =	stream.indirect_vreg.gather [hbm4b:s7+s3], $0x80, v4, vm0, $0xb8;
	[tilespmem:$0x10400] =	vst v63  }
0x6c: {  	_ = 	snop  }
0x6d: {  	[tilespmem:s20], [sflag:$0x2] =	stream.indirect_vreg.gather [hbm4b:s1+s3], $0x80, v3, vm0, $0xb8;
	[tilespmem:$0x10400] =	vst v63  }
0x6e: {  	_ = 	snop  }
0x6f: {  	[tilespmem:s21], [sflag:$0x2] =	stream.indirect_vreg.gather [hbm4b:s5+s3], $0x80, v3, vm0, $0xb8;
	[tilespmem:$0x10400] =	vst v63  }
0x70: {  	_ = 	snop  }
0x71: {  	[tilespmem:s22], [sflag:$0x2] =	stream.indirect_vreg.gather [hbm4b:s6+s3], $0x80, v3, vm0, $0xb8;
	[tilespmem:$0x10400] =	vst v63  }
0x72: {  	s28 =	simm.s32 $0x70;
	s29 =	simm.s32 $0x0  }
0x73: {  	[tilespmem:s23], [sflag:$0x2] =	stream.indirect_vreg.gather [hbm4b:s7+s3], $0x80, v3, vm0, $0xb8;
	[tilespmem:$0x10400] =	vst v63  }
.LBB2_2:
0x74: {  	_ =	swait.ge [sflag:s24], $0x8000  }
0x75: {  	[sflag:s24] =	ssyncset.done $0x0  }
0x76: {  	s4 =	sadd.s32 s29, s9;
	[sflag:s24] =	ssyncadd.s32 $0xFFFF8000  }
0x77: {  	[hbm4b:s4+s3] =	stream.linear.scatter [tilespmem:s13], [sflag:$0x3], $0x8000, $0x38;
	[tilespmem:$0x10400] =	vst v63  }
0x78: {  	_ =	swait.ge [sflag:s12], $0x8000  }
0x79: {  	[sflag:s12] =	ssyncset.done $0x0  }
0x7a: {  	p0 =	seq.s32 s29, $0x1E000;
	[sflag:s12] =	ssyncadd.s32 $0xFFFF8000  }
0x7b: {  	v3 =	vld @!p0 [tilespmem:s28+$0xFFFFFFD0];
	_ =	sdelay $0x4  }
0x7c: {  	v4 =	vshll.u32 @!p0 v3, $0x3  }
0x7d: {  	v5 =	vlaneseq.u32 @!p0;
	v3 =	vand.u32 @!p0 $0x7, v3;
	v4 =	vand.u32 @!p0 $0xFFFFFFC0, v4  }
0x7e: {  	v6 =	vshrl.u32 @!p0 v5, $0x3;
	v3 =	vor.u32 @!p0 v3, v4;
	v4 =	vand.u32 @!p0 $0x7, v5  }
0x7f: {  	v6 =	vmul.u32 @!p0 $0x8, v6;
	v7 =	vperm.xlane @!p0 v3, v4;
	_ =	sdelay $0x1  }
0x80: {  	v7 =	vadd.s32 @!p0 v6, v7;
	_ =	sdelay $0x3  }
0x81: {  	vm1 =	vmmov @!p0 $0xffff;
	s8 =	simm.s32 @!p0 $0x0;
	s26 =	simm.s32 @!p0 $0x400  }
0x82: {  	v5 =	vor.u32 @!p0 $0x8, v5;
	[tilespmem:s26], [sflag:$0x1] =	stream.indirect_vreg.gather @!p0 [hbm4b:s1+s8], $0x80, v7, vm1, $0xb8;
	[tilespmem:$0x10400] =	vst v63  }
0x83: {  	v3 =	vperm.xlane @!p0 v3, v5;
	s26 =	simm.s32 @!p0 $0xC00  }
0x84: {  	[tilespmem:s26], [sflag:$0x1] =	stream.indirect_vreg.gather @!p0 [hbm4b:s5+s8], $0x80, v7, vm1, $0xb8;
	[tilespmem:$0x10400] =	vst v63  }
0x85: {  	v3 =	vadd.s32 @!p0 v6, v3;
	s26 =	simm.s32 @!p0 $0x1400  }
0x86: {  	[tilespmem:s26], [sflag:$0x1] =	stream.indirect_vreg.gather @!p0 [hbm4b:s6+s8], $0x80, v7, vm1, $0xb8;
	[tilespmem:$0x10400] =	vst v63  }
0x87: {  	s26 =	simm.s32 @!p0 $0x1C00  }
0x88: {  	[tilespmem:s26], [sflag:$0x1] =	stream.indirect_vreg.gather @!p0 [hbm4b:s7+s8], $0x80, v7, vm1, $0xb8;
	[tilespmem:$0x10400] =	vst v63  }
0x89: {  	s26 =	simm.s32 @!p0 $0x2400  }
0x8a: {  	[tilespmem:s26], [sflag:$0x1] =	stream.indirect_vreg.gather @!p0 [hbm4b:s1+s8], $0x80, v3, vm1, $0xb8;
	[tilespmem:$0x10400] =	vst v63  }
0x8b: {  	s26 =	simm.s32 @!p0 $0x2C00  }
0x8c: {  	[tilespmem:s26], [sflag:$0x1] =	stream.indirect_vreg.gather @!p0 [hbm4b:s5+s8], $0x80, v3, vm1, $0xb8;
	[tilespmem:$0x10400] =	vst v63  }
0x8d: {  	s26 =	simm.s32 @!p0 $0x3400  }
0x8e: {  	[tilespmem:s26], [sflag:$0x1] =	stream.indirect_vreg.gather @!p0 [hbm4b:s6+s8], $0x80, v3, vm1, $0xb8;
	[tilespmem:$0x10400] =	vst v63  }
0x8f: {  	s26 =	simm.s32 @!p0 $0x3C00  }
0x90: {  	[tilespmem:s26], [sflag:$0x1] =	stream.indirect_vreg.gather @!p0 [hbm4b:s7+s8], $0x80, v3, vm1, $0xb8;
	[tilespmem:$0x10400] =	vst v63  }
0x91: {  	v3 =	vld @!p0 [tilespmem:s28+$0xFFFFFFE0];
	_ =	sdelay $0x4  }
0x92: {  	v7 =	vshll.u32 @!p0 v3, $0x3  }
0x93: {  	v3 =	vand.u32 @!p0 $0x7, v3;
	v7 =	vand.u32 @!p0 $0xFFFFFFC0, v7  }
0x94: {  	v3 =	vor.u32 @!p0 v3, v7  }
0x95: {  	v4 =	vperm.xlane @!p0 v3, v4;
	_ =	sdelay $0x1  }
0x96: {  	v4 =	vadd.s32 @!p0 v6, v4;
	_ =	sdelay $0x3  }
0x97: {  	s26 =	simm.s32 @!p0 $0x4400  }
0x98: {  	[tilespmem:s26], [sflag:$0x1] =	stream.indirect_vreg.gather @!p0 [hbm4b:s1+s8], $0x80, v4, vm1, $0xb8;
	[tilespmem:$0x10400] =	vst v63  }
0x99: {  	v3 =	vperm.xlane @!p0 v3, v5;
	s26 =	simm.s32 @!p0 $0x4C00  }
0x9a: {  	[tilespmem:s26], [sflag:$0x1] =	stream.indirect_vreg.gather @!p0 [hbm4b:s5+s8], $0x80, v4, vm1, $0xb8;
	[tilespmem:$0x10400] =	vst v63  }
0x9b: {  	v3 =	vadd.s32 @!p0 v6, v3;
	s26 =	simm.s32 @!p0 $0x5400  }
0x9c: {  	[tilespmem:s26], [sflag:$0x1] =	stream.indirect_vreg.gather @!p0 [hbm4b:s6+s8], $0x80, v4, vm1, $0xb8;
	[tilespmem:$0x10400] =	vst v63  }
0x9d: {  	s26 =	simm.s32 @!p0 $0x5C00  }
0x9e: {  	[tilespmem:s26], [sflag:$0x1] =	stream.indirect_vreg.gather @!p0 [hbm4b:s7+s8], $0x80, v4, vm1, $0xb8;
	[tilespmem:$0x10400] =	vst v63  }
0x9f: {  	s26 =	simm.s32 @!p0 $0x6400  }
0xa0: {  	[tilespmem:s26], [sflag:$0x1] =	stream.indirect_vreg.gather @!p0 [hbm4b:s1+s8], $0x80, v3, vm1, $0xb8;
	[tilespmem:$0x10400] =	vst v63  }
0xa1: {  	s26 =	simm.s32 @!p0 $0x6C00  }
0xa2: {  	[tilespmem:s26], [sflag:$0x1] =	stream.indirect_vreg.gather @!p0 [hbm4b:s5+s8], $0x80, v3, vm1, $0xb8;
	[tilespmem:$0x10400] =	vst v63  }
0xa3: {  	s26 =	simm.s32 @!p0 $0x7400  }
0xa4: {  	[tilespmem:s26], [sflag:$0x1] =	stream.indirect_vreg.gather @!p0 [hbm4b:s6+s8], $0x80, v3, vm1, $0xb8;
	[tilespmem:$0x10400] =	vst v63  }
0xa5: {  	s26 =	simm.s32 @!p0 $0x7C00  }
0xa6: {  	[tilespmem:s26], [sflag:$0x1] =	stream.indirect_vreg.gather @!p0 [hbm4b:s7+s8], $0x80, v3, vm1, $0xb8;
	[tilespmem:$0x10400] =	vst v63  }
0xa7: {  	_ =	swait.ge [sflag:s25], $0x8000  }
0xa8: {  	[sflag:s25] =	ssyncset.done $0x0  }
.Ltmp2:
0xa9: {  	s4 =	sadd.s32 $0x1000, s4;
	[sflag:s25] =	ssyncadd.s32 $0xFFFF8000;
	(pc) =	sbr.rel @p0 .LBB2_4-.Ltmp2, $4  }
0xaa: {  	[hbm4b:s4+s3] =	stream.linear.scatter [tilespmem:s30], [sflag:$0x3], $0x8000, $0x38;
	[tilespmem:$0x10400] =	vst v63  }
0xab: {  	_ =	swait.ge [sflag:s12], $0x8000  }
0xac: {  	[sflag:s12] =	ssyncset.done $0x0  }
0xad: {  	[sflag:s12] =	ssyncadd.s32 $0xFFFF8000  }
0xae: {  	v3 =	vld [tilespmem:s28+$0xFFFFFFF0];
	_ =	sdelay $0x4  }
0xaf: {  	v4 =	vshll.u32 v3, $0x3  }
0xb0: {  	v3 =	vand.u32 $0x7, v3;
	v4 =	vand.u32 $0xFFFFFFC0, v4  }
0xb1: {  	v3 =	vor.u32 v3, v4  }
0xb2: {  	v4 =	vperm.xlane v3, v0;
	_ =	sdelay $0x1  }
0xb3: {  	v4 =	vadd.s32 v1, v4;
	_ =	sdelay $0x4  }
0xb4: {  	[tilespmem:s30], [sflag:$0x2] =	stream.indirect_vreg.gather [hbm4b:s1+s3], $0x80, v4, vm0, $0xb8;
	[tilespmem:$0x10400] =	vst v63  }
0xb5: {  	v3 =	vperm.xlane v3, v2  }
0xb6: {  	[tilespmem:s31], [sflag:$0x2] =	stream.indirect_vreg.gather [hbm4b:s5+s3], $0x80, v4, vm0, $0xb8;
	[tilespmem:$0x10400] =	vst v63  }
0xb7: {  	v3 =	vadd.s32 v1, v3  }
0xb8: {  	[tilespmem:s0], [sflag:$0x2] =	stream.indirect_vreg.gather [hbm4b:s6+s3], $0x80, v4, vm0, $0xb8;
	[tilespmem:$0x10400] =	vst v63  }
0xb9: {  	_ = 	snop  }
0xba: {  	[tilespmem:s2], [sflag:$0x2] =	stream.indirect_vreg.gather [hbm4b:s7+s3], $0x80, v4, vm0, $0xb8;
	[tilespmem:$0x10400] =	vst v63  }
0xbb: {  	_ = 	snop  }
0xbc: {  	[tilespmem:s10], [sflag:$0x2] =	stream.indirect_vreg.gather [hbm4b:s1+s3], $0x80, v3, vm0, $0xb8;
	[tilespmem:$0x10400] =	vst v63  }
0xbd: {  	_ = 	snop  }
0xbe: {  	[tilespmem:s11], [sflag:$0x2] =	stream.indirect_vreg.gather [hbm4b:s5+s3], $0x80, v3, vm0, $0xb8;
	[tilespmem:$0x10400] =	vst v63  }
0xbf: {  	_ = 	snop  }
0xc0: {  	[tilespmem:s14], [sflag:$0x2] =	stream.indirect_vreg.gather [hbm4b:s6+s3], $0x80, v3, vm0, $0xb8;
	[tilespmem:$0x10400] =	vst v63  }
0xc1: {  	_ = 	snop  }
0xc2: {  	[tilespmem:s15], [sflag:$0x2] =	stream.indirect_vreg.gather [hbm4b:s7+s3], $0x80, v3, vm0, $0xb8;
	[tilespmem:$0x10400] =	vst v63  }
0xc3: {  	v3 =	vld [tilespmem:s28+$0x0];
	_ =	sdelay $0x4  }
0xc4: {  	v63 =	vshll.u32 v3, $0x3  }
0xc5: {  	v3 =	vand.u32 $0x7, v3;
	v4 =	vand.u32 $0xFFFFFFC0, v63  }
0xc6: {  	v3 =	vor.u32 v3, v4  }
0xc7: {  	v4 =	vperm.xlane v3, v0;
	_ =	sdelay $0x1  }
0xc8: {  	v4 =	vadd.s32 v1, v4;
	_ =	sdelay $0x4  }
0xc9: {  	[tilespmem:s16], [sflag:$0x2] =	stream.indirect_vreg.gather [hbm4b:s1+s3], $0x80, v4, vm0, $0xb8;
	[tilespmem:$0x10400] =	vst v63  }
0xca: {  	v3 =	vperm.xlane v3, v2  }
0xcb: {  	[tilespmem:s17], [sflag:$0x2] =	stream.indirect_vreg.gather [hbm4b:s5+s3], $0x80, v4, vm0, $0xb8;
	[tilespmem:$0x10400] =	vst v63  }
0xcc: {  	v3 =	vadd.s32 v1, v3  }
0xcd: {  	[tilespmem:s18], [sflag:$0x2] =	stream.indirect_vreg.gather [hbm4b:s6+s3], $0x80, v4, vm0, $0xb8;
	[tilespmem:$0x10400] =	vst v63  }
0xce: {  	_ = 	snop  }
0xcf: {  	[tilespmem:s19], [sflag:$0x2] =	stream.indirect_vreg.gather [hbm4b:s7+s3], $0x80, v4, vm0, $0xb8;
	[tilespmem:$0x10400] =	vst v63  }
0xd0: {  	_ = 	snop  }
0xd1: {  	[tilespmem:s20], [sflag:$0x2] =	stream.indirect_vreg.gather [hbm4b:s1+s3], $0x80, v3, vm0, $0xb8;
	[tilespmem:$0x10400] =	vst v63  }
0xd2: {  	_ = 	snop  }
0xd3: {  	[tilespmem:s21], [sflag:$0x2] =	stream.indirect_vreg.gather [hbm4b:s5+s3], $0x80, v3, vm0, $0xb8;
	[tilespmem:$0x10400] =	vst v63  }
.Ltmp3:
0xd4: {  	_ = 	snop;
	(pc) =	sbr.rel .LBB2_2-.Ltmp3, $4  }
0xd5: {  	_ = 	snop  }
0xd6: {  	[tilespmem:s22], [sflag:$0x2] =	stream.indirect_vreg.gather [hbm4b:s6+s3], $0x80, v3, vm0, $0xb8;
	[tilespmem:$0x10400] =	vst v63  }
0xd7: {  	s29 =	sadd.s32 $0x2000, s29;
	s28 =	sadd.s32 $0x40, s28  }
0xd8: {  	[tilespmem:s23], [sflag:$0x2] =	stream.indirect_vreg.gather [hbm4b:s7+s3], $0x80, v3, vm0, $0xb8;
	[tilespmem:$0x10400] =	vst v63  }
.LBB2_5:
0xd9: {  	_ =	sfence.sel $0x180000  }
0xda: {  	[bflag:$0x0] =	sbarrier.arrive $0xFFFF  }
0xdb: {  	_ =	strace $0x90000047  }
0xdc: {  	s0 =	stileid.u32;
	[bflag:$0x2] =	sbarrier.arrive $0xFFFF  }
0xdd: {  	p0 =	sne.s32 s0, $0x0;
	s0 =	rddreg [dreg:$0x3]  }
0xde: {  	s0 =	sadd.s32 @!p0 $0x100000, s0  }
0xdf: {  	[sflag:s0] =	ssyncadd.tile.s32 @!p0 $0x1;
	_ =	shalt  }
.Lfunc_end2:
_tile_overlayer_lowered:
.L_overlay_start_2:
0xe0: {  	(tag) =	ssettag $0x2  }
0xe1: {  	s0 =	rddreg [dreg:$0x0];
	s2 =	stileid.u32  }
0xe2: {  	s1 =	rddreg [dreg:$0x1];
	p0 =	sne.s32 s2, $0x0  }
0xe3: {  	s3 =	rddreg [dreg:$0x2];
	[bflag:$0x3] =	sbarrier.arrive $0xFFFF;
	s2 =	simm.s32 @!p0 $0x1C03  }
0xe4: {  	[timem:s3], [sflag:s2] =	dma.local @!p0 [hbm:s0], s1  }
0xe5: {  	s0 =	simm.s32 @!p0 $0x3  }
0xe6: {  	_ =	swait.ge @!p0 [sflag:s0], s1  }
0xe7: {  	s1 =	ssub.s32 @!p0 $0x0, s1;
	[sflag:s0] =	ssyncset.done @!p0 $0x0  }
0xe8: {  	[sflag:s0] =	ssyncadd.s32 @!p0 s1  }
0xe9: {  	[bflag:$0x3] =	sbarrier.arrive $0xFFFF  }
0xea: {  	_ =	shalt  }

</sc_bundles>
